<compile_context>
chip_gen: v7x
topology: tpu7x:2x2x1
jax: 0.10.2.dev20260603
libtpu: 0.0.44.dev20260713+nightly
codegen_flags: <defaults>
</compile_context>

<pallas_src>
import functools

import jax
import jax.numpy as jnp
from jax import lax
from jax.experimental import pallas as pl
from jax.experimental.pallas import tpu as pltpu
from jax.experimental.pallas import tpu_sc as plsc

NC = 1
NS = 16
L = 16
CH = 2


def _make_gather(B: int, N: int, D: int):
  NW = NC * NS
  assert B % (8 * NW * CH) == 0 and D % L == 0
  b_per_w = B // NW
  b_per_c = b_per_w // CH
  mesh = plsc.VectorSubcoreMesh(
      core_axis_name="c", subcore_axis_name="s", num_cores=NC, num_subcores=NS
  )

  @functools.partial(
      pl.kernel,
      mesh=mesh,
      out_type=jax.ShapeDtypeStruct((B, D), jnp.float32),
      scratch_types=[
          pltpu.VMEM((b_per_w,), jnp.int32),
          pltpu.VMEM((CH, b_per_c, D), jnp.float32),
          pltpu.SemaphoreType.DMA,
          pltpu.SemaphoreType.DMA,
      ],
  )
  def gather(table_hbm, idx_hbm, out_hbm, idx_v, rows_v, sem0, sem1):
    wid = lax.axis_index("s") * NC + lax.axis_index("c")
    base = wid * b_per_w
    pltpu.sync_copy(idx_hbm.at[pl.ds(base, b_per_w)], idx_v)
    for j in range(b_per_w // L):
      sl = pl.ds(j * L, L)
      b_ids = lax.iota(jnp.int32, L) + (base + j * L)
      idx_v[sl] = idx_v[sl] + b_ids * N
    sems = (sem0, sem1)
    gathers = []
    for c in range(CH):
      g = pltpu.async_copy(
          table_hbm.at[idx_v.at[pl.ds(c * b_per_c, b_per_c)]],
          rows_v.at[c], sems[c])
      gathers.append(g)
    for c in range(CH):
      gathers[c].wait()
      pltpu.sync_copy(rows_v.at[c], out_hbm.at[pl.ds(base + c * b_per_c, b_per_c)])

  return gather


def kernel(embeddings, current_node):
  B, N, D = embeddings.shape
  table = embeddings.reshape(B * N, D)
  idx = current_node.astype(jnp.int32)
  return _make_gather(B, N, D)(table, idx)

# --- scband reference (transcript-rebuilt; emitter-appended) ---
"""Pipeline reference for scband-env-state-86586540687838 (READ-ONLY COPY).

The authoritative reference and input builder live on the scoring server;
editing this copy changes nothing except your own understanding.
"""

import jax, jax.numpy as jnp
import numpy as np

B, N, D = 1024, 1000, 128

def setup_inputs(seed: int = 0) -> dict:
    key = jax.random.key(seed)
    k1, k2 = jax.random.split(key)
    embeddings = jax.random.normal(k1, (B, N, D), dtype=jnp.float32)
    current_node = jax.random.randint(k2, (B,), 0, N, dtype=jnp.int64) if jax.config.jax_enable_x64 else jax.random.randint(k2, (B,), 0, N, dtype=jnp.int32)
    return {"embeddings": embeddings, "current_node": current_node}

def reference(embeddings, current_node):
    # torch: cur_node[:, None].expand(-1, D)[:, None, :] -> [B,1,D]; gather dim=1; squeeze(1)
    cur_node = current_node
    if cur_node.ndim == 1:
        cur_node = cur_node[:, None]
    idx = cur_node[:, :, None]  # [B,1,1], broadcast over feature dim
    cur_node_embedding = jnp.take_along_axis(embeddings, idx, axis=1)[:, 0, :]  # [B, D]
    # step_context_dim == 0 -> project_context is None; state embedding is zeros
    state_embedding = jnp.zeros((embeddings.shape[0], D), dtype=embeddings.dtype)
    return cur_node_embedding + state_embedding

if __name__ == "__main__":
    import jax
    _d = setup_inputs()
    print(jax.jit(kernel)(*tuple(_d.values())))

</pallas_src>

<mosaic_0001>
#map = affine_map<(d0, d1) -> (0, 0)>
#map1 = affine_map<(d0, d1) -> (0)>
module attributes {stable_mosaic.version = 14 : i64} {
  func.func @gather(%arg0: i32, %arg1: i32, %arg2: memref<1024000x128xf32, #tpu.memory_space<hbm>>, %arg3: memref<1024xi32, #tpu.memory_space<hbm>>, %arg4: memref<1024x128xf32, #tpu.memory_space<hbm>>, %arg5: memref<64xi32, #tpu.memory_space<vmem>>, %arg6: memref<2x32x128xf32, #tpu.memory_space<vmem>>, %arg7: memref<!tpu.dma_semaphore, #tpu.memory_space<semaphore_mem>>, %arg8: memref<!tpu.dma_semaphore, #tpu.memory_space<semaphore_mem>>) attributes {dimension_semantics = [#tpu.dimension_semantics<core_parallel>, #tpu.dimension_semantics<subcore_parallel>], iteration_bounds = array<i64: 1, 16>, scalar_prefetch = 0 : i64, scratch_operands = 4 : i64, tpu.core_type = #tpu.core_type<sc_vector_subcore>, window_params = [{transform_indices = #map}, {transform_indices = #map1}, {transform_indices = #map}]} {
    %mul3A = arith.constant 1 : i32
    %mul3A_0 = arith.muli %arg1, %mul3A : i32
    %add3A = arith.addi %mul3A_0, %arg0 : i32
    %mul3A_1 = arith.constant 64 : i32
    %mul3A_2 = arith.muli %add3A, %mul3A_1 : i32
    "tpu.region"() ({
      %run_scoped3A_107 = tpu.sem_alloc : memref<!tpu.dma_semaphore, #tpu.memory_space<semaphore_mem>>
      %dma_start3A_108 = tpu.memref_slice %arg3[%mul3A_2] : memref<1024xi32, #tpu.memory_space<hbm>> -> memref<64xi32, #tpu.memory_space<hbm>>
      %dma_start3A_109 = tpu.memref_slice %arg3[%mul3A_2] : memref<1024xi32, #tpu.memory_space<hbm>> -> memref<64xi32, #tpu.memory_space<hbm>>
      tpu.enqueue_dma source(%dma_start3A_109 : memref<64xi32, #tpu.memory_space<hbm>>) target(%arg5 : memref<64xi32, #tpu.memory_space<vmem>>) target_semaphore(%run_scoped3A_107 : memref<!tpu.dma_semaphore, #tpu.memory_space<semaphore_mem>>)
      %dma_wait3A_110 = tpu.memref_slice %arg3[%mul3A_2] : memref<1024xi32, #tpu.memory_space<hbm>> -> memref<64xi32, #tpu.memory_space<hbm>>
      %dma_wait3A_111 = tpu.memref_slice %arg3[%mul3A_2] : memref<1024xi32, #tpu.memory_space<hbm>> -> memref<64xi32, #tpu.memory_space<hbm>>
      tpu.wait_dma2 semaphore(%run_scoped3A_107 : memref<!tpu.dma_semaphore, #tpu.memory_space<semaphore_mem>>) src(%dma_wait3A_111 : memref<64xi32, #tpu.memory_space<hbm>>) dst(%arg5 : memref<64xi32, #tpu.memory_space<vmem>>)
      tpu.yield
    }) : () -> ()
    %iota3A = tpu.iota {dimensions = array<i32: 0>} : vector<16xi32>
    %add3A_3 = arith.constant 0 : i32
    %add3A_4 = arith.addi %mul3A_2, %add3A_3 : i32
    %add3A_5 = vector.broadcast %add3A_4 : i32 to vector<16xi32>
    %add3A_6 = arith.addi %iota3A, %add3A_5 : vector<16xi32>
    %get3A = arith.constant 0 : index
    %get3A_7 = tpu.vector_load %arg5[%get3A] {strides = array<i32>} : memref<64xi32, #tpu.memory_space<vmem>>, vector<16xi32>,
    %get3A_8 = vector.shape_cast %get3A_7 : vector<16xi32> to vector<16xi32>
    %mul3A_9 = arith.constant 1000 : i32
    %mul3A_10 = vector.broadcast %mul3A_9 : i32 to vector<16xi32>
    %mul3A_11 = arith.muli %add3A_6, %mul3A_10 : vector<16xi32>
    %add3A_12 = arith.addi %get3A_8, %mul3A_11 : vector<16xi32>
    %swap3A = arith.constant 0 : index
    %swap3A_13 = tpu.vector_load %arg5[%swap3A] {strides = array<i32>} : memref<64xi32, #tpu.memory_space<vmem>>, vector<16xi32>,
    %swap3A_14 = vector.shape_cast %swap3A_13 : vector<16xi32> to vector<16xi32>
    %swap3A_15 = vector.shape_cast %add3A_12 : vector<16xi32> to vector<16xi32>
    tpu.vector_store %arg5[%swap3A], %swap3A_15 {strides = array<i32>} : memref<64xi32, #tpu.memory_space<vmem>>, vector<16xi32>,
    %iota3A_16 = tpu.iota {dimensions = array<i32: 0>} : vector<16xi32>
    %add3A_17 = arith.constant 16 : i32
    %add3A_18 = arith.addi %mul3A_2, %add3A_17 : i32
    %add3A_19 = vector.broadcast %add3A_18 : i32 to vector<16xi32>
    %add3A_20 = arith.addi %iota3A_16, %add3A_19 : vector<16xi32>
    %get3A_21 = arith.constant 16 : index
    %get3A_22 = tpu.vector_load %arg5[%get3A_21] {strides = array<i32>} : memref<64xi32, #tpu.memory_space<vmem>>, vector<16xi32>,
    %get3A_23 = vector.shape_cast %get3A_22 : vector<16xi32> to vector<16xi32>
    %mul3A_24 = arith.constant 1000 : i32
    %mul3A_25 = vector.broadcast %mul3A_24 : i32 to vector<16xi32>
    %mul3A_26 = arith.muli %add3A_20, %mul3A_25 : vector<16xi32>
    %add3A_27 = arith.addi %get3A_23, %mul3A_26 : vector<16xi32>
    %swap3A_28 = arith.constant 16 : index
    %swap3A_29 = tpu.vector_load %arg5[%swap3A_28] {strides = array<i32>} : memref<64xi32, #tpu.memory_space<vmem>>, vector<16xi32>,
    %swap3A_30 = vector.shape_cast %swap3A_29 : vector<16xi32> to vector<16xi32>
    %swap3A_31 = vector.shape_cast %add3A_27 : vector<16xi32> to vector<16xi32>
    tpu.vector_store %arg5[%swap3A_28], %swap3A_31 {strides = array<i32>} : memref<64xi32, #tpu.memory_space<vmem>>, vector<16xi32>,
    %iota3A_32 = tpu.iota {dimensions = array<i32: 0>} : vector<16xi32>
    %add3A_33 = arith.constant 32 : i32
    %add3A_34 = arith.addi %mul3A_2, %add3A_33 : i32
    %add3A_35 = vector.broadcast %add3A_34 : i32 to vector<16xi32>
    %add3A_36 = arith.addi %iota3A_32, %add3A_35 : vector<16xi32>
    %get3A_37 = arith.constant 32 : index
    %get3A_38 = tpu.vector_load %arg5[%get3A_37] {strides = array<i32>} : memref<64xi32, #tpu.memory_space<vmem>>, vector<16xi32>,
    %get3A_39 = vector.shape_cast %get3A_38 : vector<16xi32> to vector<16xi32>
    %mul3A_40 = arith.constant 1000 : i32
    %mul3A_41 = vector.broadcast %mul3A_40 : i32 to vector<16xi32>
    %mul3A_42 = arith.muli %add3A_36, %mul3A_41 : vector<16xi32>
    %add3A_43 = arith.addi %get3A_39, %mul3A_42 : vector<16xi32>
    %swap3A_44 = arith.constant 32 : index
    %swap3A_45 = tpu.vector_load %arg5[%swap3A_44] {strides = array<i32>} : memref<64xi32, #tpu.memory_space<vmem>>, vector<16xi32>,
    %swap3A_46 = vector.shape_cast %swap3A_45 : vector<16xi32> to vector<16xi32>
    %swap3A_47 = vector.shape_cast %add3A_43 : vector<16xi32> to vector<16xi32>
    tpu.vector_store %arg5[%swap3A_44], %swap3A_47 {strides = array<i32>} : memref<64xi32, #tpu.memory_space<vmem>>, vector<16xi32>,
    %iota3A_48 = tpu.iota {dimensions = array<i32: 0>} : vector<16xi32>
    %add3A_49 = arith.constant 48 : i32
    %add3A_50 = arith.addi %mul3A_2, %add3A_49 : i32
    %add3A_51 = vector.broadcast %add3A_50 : i32 to vector<16xi32>
    %add3A_52 = arith.addi %iota3A_48, %add3A_51 : vector<16xi32>
    %get3A_53 = arith.constant 48 : index
    %get3A_54 = tpu.vector_load %arg5[%get3A_53] {strides = array<i32>} : memref<64xi32, #tpu.memory_space<vmem>>, vector<16xi32>,
    %get3A_55 = vector.shape_cast %get3A_54 : vector<16xi32> to vector<16xi32>
    %mul3A_56 = arith.constant 1000 : i32
    %mul3A_57 = vector.broadcast %mul3A_56 : i32 to vector<16xi32>
    %mul3A_58 = arith.muli %add3A_52, %mul3A_57 : vector<16xi32>
    %add3A_59 = arith.addi %get3A_55, %mul3A_58 : vector<16xi32>
    %swap3A_60 = arith.constant 48 : index
    %swap3A_61 = tpu.vector_load %arg5[%swap3A_60] {strides = array<i32>} : memref<64xi32, #tpu.memory_space<vmem>>, vector<16xi32>,
    %swap3A_62 = vector.shape_cast %swap3A_61 : vector<16xi32> to vector<16xi32>
    %swap3A_63 = vector.shape_cast %add3A_59 : vector<16xi32> to vector<16xi32>
    tpu.vector_store %arg5[%swap3A_60], %swap3A_63 {strides = array<i32>} : memref<64xi32, #tpu.memory_space<vmem>>, vector<16xi32>,
    %dma_start3A = arith.constant 0 : i32
    %dma_start3A_64 = arith.constant 0 : i32
    %dma_start3A_65 = arith.constant 0 : i32
    %dma_start3A_66 = tpu.memref_slice %arg6[%dma_start3A, %dma_start3A_64, %dma_start3A_65] : memref<2x32x128xf32, #tpu.memory_space<vmem>> -> memref<1x32x128xf32, #tpu.memory_space<vmem>>
    %dma_start3A_67 = tpu.memref_squeeze %dma_start3A_66 : memref<1x32x128xf32, #tpu.memory_space<vmem>> -> memref<32x128xf32, #tpu.memory_space<vmem>>
    %dma_start3A_68 = arith.constant 0 : i32
    %dma_start3A_69 = tpu.memref_slice %arg5[%dma_start3A_68] : memref<64xi32, #tpu.memory_space<vmem>> -> memref<32xi32, #tpu.memory_space<vmem>>
    %dma_start3A_70 = arith.constant 0 : i32
    %dma_start3A_71 = arith.constant 0 : i32
    %dma_start3A_72 = tpu.memref_slice %arg2[%dma_start3A_70, %dma_start3A_71] : memref<1024000x128xf32, #tpu.memory_space<hbm>> -> memref<1024000x128xf32, #tpu.memory_space<hbm>>
    tpu.enqueue_indirect_dma source(%dma_start3A_72 : memref<1024000x128xf32, #tpu.memory_space<hbm>>) target(%dma_start3A_67 : memref<32x128xf32, #tpu.memory_space<vmem>>) offsets(%dma_start3A_69 : memref<32xi32, #tpu.memory_space<vmem>>) semaphore(%arg7 : memref<!tpu.dma_semaphore, #tpu.memory_space<semaphore_mem>>)
    %dma_start3A_73 = arith.constant 1 : i32
    %dma_start3A_74 = arith.constant 0 : i32
    %dma_start3A_75 = arith.constant 0 : i32
    %dma_start3A_76 = tpu.memref_slice %arg6[%dma_start3A_73, %dma_start3A_74, %dma_start3A_75] : memref<2x32x128xf32, #tpu.memory_space<vmem>> -> memref<1x32x128xf32, #tpu.memory_space<vmem>>
    %dma_start3A_77 = tpu.memref_squeeze %dma_start3A_76 : memref<1x32x128xf32, #tpu.memory_space<vmem>> -> memref<32x128xf32, #tpu.memory_space<vmem>>
    %dma_start3A_78 = arith.constant 32 : i32
    %dma_start3A_79 = tpu.memref_slice %arg5[%dma_start3A_78] : memref<64xi32, #tpu.memory_space<vmem>> -> memref<32xi32, #tpu.memory_space<vmem>>
    %dma_start3A_80 = arith.constant 0 : i32
    %dma_start3A_81 = arith.constant 0 : i32
    %dma_start3A_82 = tpu.memref_slice %arg2[%dma_start3A_80, %dma_start3A_81] : memref<1024000x128xf32, #tpu.memory_space<hbm>> -> memref<1024000x128xf32, #tpu.memory_space<hbm>>
    tpu.enqueue_indirect_dma source(%dma_start3A_82 : memref<1024000x128xf32, #tpu.memory_space<hbm>>) target(%dma_start3A_77 : memref<32x128xf32, #tpu.memory_space<vmem>>) offsets(%dma_start3A_79 : memref<32xi32, #tpu.memory_space<vmem>>) semaphore(%arg8 : memref<!tpu.dma_semaphore, #tpu.memory_space<semaphore_mem>>)
    %dma_wait3A = arith.constant 0 : i32
    %dma_wait3A_83 = arith.constant 0 : i32
    %dma_wait3A_84 = arith.constant 0 : i32
    %dma_wait3A_85 = tpu.memref_slice %arg6[%dma_wait3A, %dma_wait3A_83, %dma_wait3A_84] : memref<2x32x128xf32, #tpu.memory_space<vmem>> -> memref<1x32x128xf32, #tpu.memory_space<vmem>>
    %dma_wait3A_86 = tpu.memref_squeeze %dma_wait3A_85 : memref<1x32x128xf32, #tpu.memory_space<vmem>> -> memref<32x128xf32, #tpu.memory_space<vmem>>
    %dma_wait3A_87 = arith.constant 0 : i32
    %dma_wait3A_88 = tpu.memref_slice %arg5[%dma_wait3A_87] : memref<64xi32, #tpu.memory_space<vmem>> -> memref<32xi32, #tpu.memory_space<vmem>>
    %dma_wait3A_89 = arith.constant 0 : i32
    %dma_wait3A_90 = arith.constant 0 : i32
    %dma_wait3A_91 = tpu.memref_slice %arg2[%dma_wait3A_89, %dma_wait3A_90] : memref<1024000x128xf32, #tpu.memory_space<hbm>> -> memref<1024000x128xf32, #tpu.memory_space<hbm>>
    tpu.wait_indirect_dma semaphore(%arg7 : memref<!tpu.dma_semaphore, #tpu.memory_space<semaphore_mem>>) src(%dma_wait3A_91 : memref<1024000x128xf32, #tpu.memory_space<hbm>>) dst(%dma_wait3A_86 : memref<32x128xf32, #tpu.memory_space<vmem>>)
    %add3A_92 = arith.constant 0 : i32
    %add3A_93 = arith.addi %mul3A_2, %add3A_92 : i32
    %run_scoped3A = arith.constant 0 : i32
    "tpu.region"() ({
      %run_scoped3A_107 = tpu.sem_alloc : memref<!tpu.dma_semaphore, #tpu.memory_space<semaphore_mem>>
      %dma_start3A_108 = arith.constant 0 : i32
      %dma_start3A_109 = arith.constant 0 : i32
      %dma_start3A_110 = tpu.memref_slice %arg6[%run_scoped3A, %dma_start3A_108, %dma_start3A_109] : memref<2x32x128xf32, #tpu.memory_space<vmem>> -> memref<1x32x128xf32, #tpu.memory_space<vmem>>
      %dma_start3A_111 = tpu.memref_squeeze %dma_start3A_110 : memref<1x32x128xf32, #tpu.memory_space<vmem>> -> memref<32x128xf32, #tpu.memory_space<vmem>>
      %dma_start3A_112 = arith.constant 0 : i32
      %dma_start3A_113 = tpu.memref_slice %arg4[%add3A_93, %dma_start3A_112] : memref<1024x128xf32, #tpu.memory_space<hbm>> -> memref<32x128xf32, #tpu.memory_space<hbm>>
      %dma_start3A_114 = arith.constant 0 : i32
      %dma_start3A_115 = tpu.memref_slice %arg4[%add3A_93, %dma_start3A_114] : memref<1024x128xf32, #tpu.memory_space<hbm>> -> memref<32x128xf32, #tpu.memory_space<hbm>>
      %dma_start3A_116 = arith.constant 0 : i32
      %dma_start3A_117 = arith.constant 0 : i32
      %dma_start3A_118 = tpu.memref_slice %arg6[%run_scoped3A, %dma_start3A_116, %dma_start3A_117] : memref<2x32x128xf32, #tpu.memory_space<vmem>> -> memref<1x32x128xf32, #tpu.memory_space<vmem>>
      %dma_start3A_119 = tpu.memref_squeeze %dma_start3A_118 : memref<1x32x128xf32, #tpu.memory_space<vmem>> -> memref<32x128xf32, #tpu.memory_space<vmem>>
      tpu.enqueue_dma source(%dma_start3A_119 : memref<32x128xf32, #tpu.memory_space<vmem>>) target(%dma_start3A_115 : memref<32x128xf32, #tpu.memory_space<hbm>>) target_semaphore(%run_scoped3A_107 : memref<!tpu.dma_semaphore, #tpu.memory_space<semaphore_mem>>)
      %dma_wait3A_120 = arith.constant 0 : i32
      %dma_wait3A_121 = arith.constant 0 : i32
      %dma_wait3A_122 = tpu.memref_slice %arg6[%run_scoped3A, %dma_wait3A_120, %dma_wait3A_121] : memref<2x32x128xf32, #tpu.memory_space<vmem>> -> memref<1x32x128xf32, #tpu.memory_space<vmem>>
      %dma_wait3A_123 = tpu.memref_squeeze %dma_wait3A_122 : memref<1x32x128xf32, #tpu.memory_space<vmem>> -> memref<32x128xf32, #tpu.memory_space<vmem>>
      %dma_wait3A_124 = arith.constant 0 : i32
      %dma_wait3A_125 = tpu.memref_slice %arg4[%add3A_93, %dma_wait3A_124] : memref<1024x128xf32, #tpu.memory_space<hbm>> -> memref<32x128xf32, #tpu.memory_space<hbm>>
      %dma_wait3A_126 = arith.constant 0 : i32
      %dma_wait3A_127 = tpu.memref_slice %arg4[%add3A_93, %dma_wait3A_126] : memref<1024x128xf32, #tpu.memory_space<hbm>> -> memref<32x128xf32, #tpu.memory_space<hbm>>
      %dma_wait3A_128 = arith.constant 0 : i32
      %dma_wait3A_129 = arith.constant 0 : i32
      %dma_wait3A_130 = tpu.memref_slice %arg6[%run_scoped3A, %dma_wait3A_128, %dma_wait3A_129] : memref<2x32x128xf32, #tpu.memory_space<vmem>> -> memref<1x32x128xf32, #tpu.memory_space<vmem>>
      %dma_wait3A_131 = tpu.memref_squeeze %dma_wait3A_130 : memref<1x32x128xf32, #tpu.memory_space<vmem>> -> memref<32x128xf32, #tpu.memory_space<vmem>>
      tpu.wait_dma2 semaphore(%run_scoped3A_107 : memref<!tpu.dma_semaphore, #tpu.memory_space<semaphore_mem>>) src(%dma_wait3A_131 : memref<32x128xf32, #tpu.memory_space<vmem>>) dst(%dma_wait3A_127 : memref<32x128xf32, #tpu.memory_space<hbm>>)
      tpu.yield
    }) : () -> ()
    %dma_wait3A_94 = arith.constant 1 : i32
    %dma_wait3A_95 = arith.constant 0 : i32
    %dma_wait3A_96 = arith.constant 0 : i32
    %dma_wait3A_97 = tpu.memref_slice %arg6[%dma_wait3A_94, %dma_wait3A_95, %dma_wait3A_96] : memref<2x32x128xf32, #tpu.memory_space<vmem>> -> memref<1x32x128xf32, #tpu.memory_space<vmem>>
    %dma_wait3A_98 = tpu.memref_squeeze %dma_wait3A_97 : memref<1x32x128xf32, #tpu.memory_space<vmem>> -> memref<32x128xf32, #tpu.memory_space<vmem>>
    %dma_wait3A_99 = arith.constant 32 : i32
    %dma_wait3A_100 = tpu.memref_slice %arg5[%dma_wait3A_99] : memref<64xi32, #tpu.memory_space<vmem>> -> memref<32xi32, #tpu.memory_space<vmem>>
    %dma_wait3A_101 = arith.constant 0 : i32
    %dma_wait3A_102 = arith.constant 0 : i32
    %dma_wait3A_103 = tpu.memref_slice %arg2[%dma_wait3A_101, %dma_wait3A_102] : memref<1024000x128xf32, #tpu.memory_space<hbm>> -> memref<1024000x128xf32, #tpu.memory_space<hbm>>
    tpu.wait_indirect_dma semaphore(%arg8 : memref<!tpu.dma_semaphore, #tpu.memory_space<semaphore_mem>>) src(%dma_wait3A_103 : memref<1024000x128xf32, #tpu.memory_space<hbm>>) dst(%dma_wait3A_98 : memref<32x128xf32, #tpu.memory_space<vmem>>)
    %add3A_104 = arith.constant 32 : i32
    %add3A_105 = arith.addi %mul3A_2, %add3A_104 : i32
    %run_scoped3A_106 = arith.constant 1 : i32
    "tpu.region"() ({
      %run_scoped3A_107 = tpu.sem_alloc : memref<!tpu.dma_semaphore, #tpu.memory_space<semaphore_mem>>
      %dma_start3A_108 = arith.constant 0 : i32
      %dma_start3A_109 = arith.constant 0 : i32
      %dma_start3A_110 = tpu.memref_slice %arg6[%run_scoped3A_106, %dma_start3A_108, %dma_start3A_109] : memref<2x32x128xf32, #tpu.memory_space<vmem>> -> memref<1x32x128xf32, #tpu.memory_space<vmem>>
      %dma_start3A_111 = tpu.memref_squeeze %dma_start3A_110 : memref<1x32x128xf32, #tpu.memory_space<vmem>> -> memref<32x128xf32, #tpu.memory_space<vmem>>
      %dma_start3A_112 = arith.constant 0 : i32
      %dma_start3A_113 = tpu.memref_slice %arg4[%add3A_105, %dma_start3A_112] : memref<1024x128xf32, #tpu.memory_space<hbm>> -> memref<32x128xf32, #tpu.memory_space<hbm>>
      %dma_start3A_114 = arith.constant 0 : i32
      %dma_start3A_115 = tpu.memref_slice %arg4[%add3A_105, %dma_start3A_114] : memref<1024x128xf32, #tpu.memory_space<hbm>> -> memref<32x128xf32, #tpu.memory_space<hbm>>
      %dma_start3A_116 = arith.constant 0 : i32
      %dma_start3A_117 = arith.constant 0 : i32
      %dma_start3A_118 = tpu.memref_slice %arg6[%run_scoped3A_106, %dma_start3A_116, %dma_start3A_117] : memref<2x32x128xf32, #tpu.memory_space<vmem>> -> memref<1x32x128xf32, #tpu.memory_space<vmem>>
      %dma_start3A_119 = tpu.memref_squeeze %dma_start3A_118 : memref<1x32x128xf32, #tpu.memory_space<vmem>> -> memref<32x128xf32, #tpu.memory_space<vmem>>
      tpu.enqueue_dma source(%dma_start3A_119 : memref<32x128xf32, #tpu.memory_space<vmem>>) target(%dma_start3A_115 : memref<32x128xf32, #tpu.memory_space<hbm>>) target_semaphore(%run_scoped3A_107 : memref<!tpu.dma_semaphore, #tpu.memory_space<semaphore_mem>>)
      %dma_wait3A_120 = arith.constant 0 : i32
      %dma_wait3A_121 = arith.constant 0 : i32
      %dma_wait3A_122 = tpu.memref_slice %arg6[%run_scoped3A_106, %dma_wait3A_120, %dma_wait3A_121] : memref<2x32x128xf32, #tpu.memory_space<vmem>> -> memref<1x32x128xf32, #tpu.memory_space<vmem>>
      %dma_wait3A_123 = tpu.memref_squeeze %dma_wait3A_122 : memref<1x32x128xf32, #tpu.memory_space<vmem>> -> memref<32x128xf32, #tpu.memory_space<vmem>>
      %dma_wait3A_124 = arith.constant 0 : i32
      %dma_wait3A_125 = tpu.memref_slice %arg4[%add3A_105, %dma_wait3A_124] : memref<1024x128xf32, #tpu.memory_space<hbm>> -> memref<32x128xf32, #tpu.memory_space<hbm>>
      %dma_wait3A_126 = arith.constant 0 : i32
      %dma_wait3A_127 = tpu.memref_slice %arg4[%add3A_105, %dma_wait3A_126] : memref<1024x128xf32, #tpu.memory_space<hbm>> -> memref<32x128xf32, #tpu.memory_space<hbm>>
      %dma_wait3A_128 = arith.constant 0 : i32
      %dma_wait3A_129 = arith.constant 0 : i32
      %dma_wait3A_130 = tpu.memref_slice %arg6[%run_scoped3A_106, %dma_wait3A_128, %dma_wait3A_129] : memref<2x32x128xf32, #tpu.memory_space<vmem>> -> memref<1x32x128xf32, #tpu.memory_space<vmem>>
      %dma_wait3A_131 = tpu.memref_squeeze %dma_wait3A_130 : memref<1x32x128xf32, #tpu.memory_space<vmem>> -> memref<32x128xf32, #tpu.memory_space<vmem>>
      tpu.wait_dma2 semaphore(%run_scoped3A_107 : memref<!tpu.dma_semaphore, #tpu.memory_space<semaphore_mem>>) src(%dma_wait3A_131 : memref<32x128xf32, #tpu.memory_space<vmem>>) dst(%dma_wait3A_127 : memref<32x128xf32, #tpu.memory_space<hbm>>)
      tpu.yield
    }) : () -> ()
    return
  }
}

</mosaic_0001>

<sc_bundles>
// kernel: kernel.3.cloned.1.call-start
scs
__scs_entry_jumppad:
0x0: {  	(pc) =	sbr.rel $0x88, $3  }
0x1: {  	(tag) =	ssettag $0x0;
	lr =	simm.s32 $0x1  }
0x2: {  	[smem:$0x3F9F] =	sst lr;
	_ =	strace $0xD0000000  }
0x3: {  	_ = 	snop  }
0x4: {  	_ = 	snop  }
0x5: {  	_ = 	snop  }
0x6: {  	_ = 	snop  }
0x7: {  	_ = 	snop  }
__scs_overlays_trampoline_lowered:
0x8: {  	[smem:$0x3FAE] =	sst s0  }
0x9: {  	[smem:$0x3FAF] =	sst s1  }
0xa: {  	[smem:$0x3FB0] =	sst s2  }
0xb: {  	[smem:$0x3FB1] =	sst s3  }
0xc: {  	[smem:$0x3FB2] =	sst s4  }
0xd: {  	[smem:$0x3FB3] =	sst s5  }
0xe: {  	[smem:$0x3FB4] =	sst s6  }
0xf: {  	[smem:$0x3FB5] =	sst s7  }
0x10: {  	[smem:$0x3FB6] =	sst s8  }
0x11: {  	[smem:$0x3FB7] =	sst s9;
	s0 =	simm.s32 @!p0 $0x0  }
0x12: {  	s1 =	sld [smem:$0x3F9D];
	s0 =	simm.s32 @p0 $0x1  }
0x13: {  	[smem:$0x3FB8] =	sst s0;
	s0 =	simm.s32 @!p1 $0x0  }
0x14: {  	s2 =	sld [smem:$0x3F9C];
	s0 =	simm.s32 @p1 $0x1  }
0x15: {  	[smem:$0x3FB9] =	sst s0;
	s0 =	simm.s32 @!p2 $0x0  }
0x16: {  	s3 =	sld [smem:$0x3FDB];
	s0 =	simm.s32 @p2 $0x1  }
0x17: {  	s4 =	simm.s32 $0x1BF5;
	[smem:$0x3FBB] =	sst s0  }
0x18: {  	s0 =	sld [smem:$0x3F9E];
	_ =	swait.ge [sflag:s4], $0x0  }
0x19: {  	s7 =	sld [smem:$0x3F9F]  }
0x1a: {  	s8 =	sadd.s32 $0xFFFFE003, lr  }
0x1b: {  	s9 =	sadd.s32 $0xFFFFFEF7, lr;
	s5 =	simm.s32 $0xFFFFFFFF;
	p2 =	slt.u32 s8, $0xFFFFF086  }
0x1c: {  	p1 =	slt.u32 s9, $0xF7A;
	s5 =	simm.s32 @!p2 $0x0  }
0x1d: {  	s5 =	simm.s32 @p1 $0x1;
	p0 =	seq.s32 s7, s2  }
0x1e: {  	s7 =	smul.u32 @!p0 $0xF7A, s2;
	p2 =	seq.s32 @!p0 s5, $0x0  }
0x1f: {  	s9 =	smul.u32 $0xF7A, s1;
	s8 =	simm.s32 @!p0 $0x1BF5;
	p2 =	por !p2, p0  }
0x20: {  	[sflag:s8] =	ssyncset.s32 @!p0 $0xFFFFF086;
	s6 =	sadd.s32 @!p0 s3, s7;
	s7 =	simm.s32 @!p0 $0x108  }
0x21: {  	s3 =	sadd.s32 s3, s9;
	s6 =	sadd.s32 @!p0 $0x88, s6;
	s7 =	simm.s32 @p2 $0x1082  }
0x22: {  	[simem:s7], [sflag:s8] =	dma.local @!p0 [hbm:s6], $0xF7A  }
0x23: {  	s9 =	sor.u32 $0xD0000000, s2;
	s6 =	simm.s32 $0x108;
	_ =	swait.ge @!p0 [sflag:s8], $0x0  }
0x24: {  	s3 =	sadd.s32 $0x88, s3;
	s6 =	simm.s32 @!p1 $0x1082;
	[sflag:s4] =	ssyncset.s32 $0xFFFFF086  }
0x25: {  	[simem:s6], [sflag:s4] =	dma.local [hbm:s3], $0xF7A  }
0x26: {  	[smem:$0x3F9F] =	sst s1;
	(tag) =	ssettag s2;
	_ =	strace s9  }
0x27: {  	s1 =	sld [smem:$0x3FAF]  }
0x28: {  	s2 =	sld [smem:$0x3FB0]  }
0x29: {  	s4 =	sld [smem:$0x3FB2]  }
0x2a: {  	p0 =	seq.s32 s5, $0x0;
	s5 =	sld [smem:$0x3FB3]  }
0x2b: {  	s6 =	sld [smem:$0x3FB4]  }
0x2c: {  	s7 =	sld [smem:$0x3FB5]  }
0x2d: {  	s3 =	simm.s32 $0x108;
	s8 =	sld [smem:$0x3FB6]  }
0x2e: {  	s3 =	simm.s32 @!p0 $0x1082;
	s9 =	sld [smem:$0x3FB7]  }
0x2f: {  	lr =	sadd.s32 s0, s3;
	s0 =	sld [smem:$0x3FAE]  }
0x30: {  	s3 =	sld [smem:$0x3FB1]  }
0x31: {  	[smem:$0x3FBA] =	sst s10  }
0x32: {  	s10 =	sld [smem:$0x3FB8];
	_ =	sdelay $0x3  }
0x33: {  	p0 =	seq.s32 s10, $0x1;
	s10 =	sld [smem:$0x3FBA];
	_ =	sdelay $0x3  }
0x34: {  	[smem:$0x3FBA] =	sst s10  }
0x35: {  	s10 =	sld [smem:$0x3FB9];
	_ =	sdelay $0x3  }
0x36: {  	p1 =	seq.s32 s10, $0x1;
	s10 =	sld [smem:$0x3FBA];
	_ =	sdelay $0x3  }
0x37: {  	[smem:$0x3FBA] =	sst s10  }
0x38: {  	s10 =	sld [smem:$0x3FBB]  }
0x39: {  	_ = 	snop;
	(pc) =	sbr.ind lr, $3  }
0x3a: {  	_ = 	snop  }
0x3b: {  	_ = 	snop  }
0x3c: {  	p2 =	seq.s32 s10, $0x1;
	s10 =	sld [smem:$0x3FBA]  }
0x3d: {  	_ =	shalt  }
0x3e: {  	_ =	shalt  }
0x3f: {  	_ =	shalt  }
0x40: {  	_ =	shalt  }
0x41: {  	_ =	shalt  }
0x42: {  	_ =	shalt  }
0x43: {  	_ =	shalt  }
0x44: {  	_ =	shalt  }
0x45: {  	_ =	shalt  }
0x46: {  	_ =	shalt  }
0x47: {  	_ =	shalt  }
0x48: {  	_ =	shalt  }
0x49: {  	_ =	shalt  }
0x4a: {  	_ =	shalt  }
0x4b: {  	_ =	shalt  }
0x4c: {  	_ =	shalt  }
0x4d: {  	_ =	shalt  }
0x4e: {  	_ =	shalt  }
0x4f: {  	_ =	shalt  }
0x50: {  	_ =	shalt  }
0x51: {  	_ =	shalt  }
0x52: {  	_ =	shalt  }
0x53: {  	_ =	shalt  }
0x54: {  	_ =	shalt  }
0x55: {  	_ =	shalt  }
0x56: {  	_ =	shalt  }
0x57: {  	_ =	shalt  }
0x58: {  	_ =	shalt  }
0x59: {  	_ =	shalt  }
0x5a: {  	_ =	shalt  }
0x5b: {  	_ =	shalt  }
0x5c: {  	_ =	shalt  }
0x5d: {  	_ =	shalt  }
0x5e: {  	_ =	shalt  }
0x5f: {  	_ =	shalt  }
0x60: {  	_ =	shalt  }
0x61: {  	_ =	shalt  }
0x62: {  	_ =	shalt  }
0x63: {  	_ =	shalt  }
0x64: {  	_ =	shalt  }
0x65: {  	_ =	shalt  }
0x66: {  	_ =	shalt  }
0x67: {  	_ =	shalt  }
0x68: {  	_ =	shalt  }
0x69: {  	_ =	shalt  }
0x6a: {  	_ =	shalt  }
0x6b: {  	_ =	shalt  }
0x6c: {  	_ =	shalt  }
0x6d: {  	_ =	shalt  }
0x6e: {  	_ =	shalt  }
0x6f: {  	_ =	shalt  }
0x70: {  	_ =	shalt  }
0x71: {  	_ =	shalt  }
0x72: {  	_ =	shalt  }
0x73: {  	_ =	shalt  }
0x74: {  	_ =	shalt  }
0x75: {  	_ =	shalt  }
0x76: {  	_ =	shalt  }
0x77: {  	_ =	shalt  }
0x78: {  	_ =	shalt  }
0x79: {  	_ =	shalt  }
0x7a: {  	_ =	shalt  }
0x7b: {  	_ =	shalt  }
0x7c: {  	_ =	shalt  }
0x7d: {  	_ =	shalt  }
0x7e: {  	_ =	shalt  }
0x7f: {  	_ =	shalt  }
0x80: {  	_ =	shalt  }
0x81: {  	_ =	shalt  }
0x82: {  	_ =	shalt  }
0x83: {  	_ =	shalt  }
0x84: {  	_ =	shalt  }
0x85: {  	_ =	shalt  }
0x86: {  	_ =	shalt  }
0x87: {  	_ =	shalt  }
.Lfunc_end0:
.L_simem_size_0:
called_computation_lowered:
.L_overlay_start_0:
0x88: {  	s0 =	sld [smem:$0x3FD9]  }
0x89: {  	s1 =	sld [smem:$0x3FFE];
	_ =	sdelay $0x3  }
0x8a: {  	s0 =	sadd.s32 s1, s0  }
0x8b: {  	[smem:$0x3FC6] =	sst s0  }
0x8c: {  	_ = 	snop  }
0x8d: {  	s0 =	sld [smem:$0x3FC9]  }
0x8e: {  	s17 =	sld [smem:$0x3FC8]  }
0x8f: {  	s2 =	sld [smem:$0x3FD0];
	(tm) =	ssettm $0x1  }
0x90: {  	s3 =	sld [smem:$0x3FFB];
	_ =	sdelay $0x3  }
0x91: {  	_ =	strace s3  }
0x92: {  	s3 =	sld [smem:$0x3FFC];
	_ =	sdelay $0x3  }
0x93: {  	_ =	strace s3  }
0x94: {  	s3 =	sld [smem:$0x3FFD];
	_ =	sdelay $0x3  }
0x95: {  	_ =	strace s3  }
0x96: {  	_ =	strace $0x8FFFFFFF  }
0x97: {  	s18 =	sld [smem:$0x3FDB];
	_ =	sdelay $0x1  }
0x98: {  	s4 =	simm.s32 $_scs_section_size  }
0x99: {  	s5 =	simm.s32 $_size__tile_overlayer_lowered;
	s6 =	simm.s32 $_tile_overlayer_lowered  }
0x9a: {  	s21 =	simm.s32 $0x1BFF;
	s20 =	sshll.u32 s6, $0x1;
	s3 =	sadd.s32 s4, s18  }
0x9b: {  	s7 =	simm.s32 $0x0;
	s19 =	sshll.u32 s5, $0x1;
	s5 =	sadd.s32 s20, s3  }
0x9c: {  	[timem:s7], [sflag:s21] =	dma.local [hbm:s5], s19  }
0x9d: {  	_ =	swait.ge [sflag:s21], s19  }
0x9e: {  	s4 =	ssub.s32 $0x0, s19;
	[sflag:s21] =	ssyncset.done $0x0  }
0x9f: {  	[sflag:s21] =	ssyncadd.s32 s4;
	_ =	sdelay $0x1  }
0xa0: {  	s22 =	simm.s32 $0x1B8B  }
0xa1: {  	_ =	swait.ge [sflag:s22], $0x1  }
0xa2: {  	[sflag:s22] =	ssyncset.done $0x0  }
0xa3: {  	s23 =	simm.s32 $0x1B8E;
	[sflag:s22] =	ssyncadd.s32 $0xFFFFFFFF  }
0xa4: {  	s24 =	simm.s32 $execute0_lowered;
	[smem:$0x3FD2] =	sst s23  }
0xa5: {  	s4 =	sshll.u32 s24, $0x1;
	_ =	strace $0x80000046;
	[dreg:$0x1] =	wrdreg $0xFFFFFFFF  }
0xa6: {  	s25 =	simm.s32 $_size_execute0_lowered;
	s3 =	sadd.s32 s3, s4;
	[dreg:$0x0] =	wrdreg $0x0  }
0xa7: {  	s4 =	sshll.u32 s25, $0x1;
	[dreg:$0x2] =	wrdreg s3  }
0xa8: {  	[dreg:$0x3] =	wrdreg s4  }
0xa9: {  	[dreg:$0x4] =	wrdreg $0xC0  }
0xaa: {  	_ =	task [dreg:s7], $0x5FFFF  }
0xab: {  	[dreg:$0x1] =	wrdreg $0xFFFFFFFF  }
0xac: {  	[dreg:$0x0] =	wrdreg $0x60  }
0xad: {  	[dreg:$0x2] =	wrdreg s0  }
0xae: {  	[dreg:$0x3] =	wrdreg s17  }
0xaf: {  	[dreg:$0x4] =	wrdreg s2  }
0xb0: {  	[dreg:$0x5] =	wrdreg $0x9  }
0xb1: {  	_ =	task.clear_ibuf [dreg:s7], $0x6FFFF;
	_ =	strace $0x90000046  }
0xb2: {  	s26 =	simm.s32 $0x9;
	_ =	strace $0x80000048  }
0xb3: {  	_ =	swait.ge [sflag:s26], $0x1  }
0xb4: {  	[sflag:s26] =	ssyncadd.s32 $0xFFFFFFFF  }
0xb5: {  	_ =	strace $0x90000048  }
0xb6: {  	_ =	sfence  }
0xb7: {  	s28 =	sld [smem:$0x0];
	_ =	sdelay $0x1  }
0xb8: {  	s29 =	srdreg.scid  }
0xb9: {  	s30 =	sshll.u32 s29, $0xD;
	s31 =	sshrl.u32 s29, $0x2  }
0xba: {  	s1 =	sand.u32 $0x1, s29;
	s2 =	sand.u32 $0x4000, s30;
	s0 =	sadd.s32 s31, s28  }
0xbb: {  	s1 =	sor.u32 s2, s1;
	s0 =	sshll.u32 s0, $0x11  }
0xbc: {  	s0 =	sor.u32 s0, s1  }
0xbd: {  	s0 =	sadd.s32 $0x8F2B, s0  }
0xbe: {  	[sflag:s0] =	ssyncadd.remote.s32 $0x1  }
0xbf: {  	_ =	sfence.sel $0xFFFF  }
0xc0: {  	[dreg:$0x0] =	wrdreg $0xFFFFFFFF;
	(pc) =	sbr.abs _section_cstart, $3  }
0xc1: {  	[dreg:$0x1] =	wrdreg $0xFFFFFFFF  }
0xc2: {  	_ =	task.clear_ibuf [dreg:s7], $0x2FFFF;
	_ =	strace $0x9FFFFFFF  }
0xc3: {  	(tm) =	ssettm $0x7FFFFFFF  }
tec
execute0_lowered:
.L_overlay_start_1:
0x0: {  	(tag) =	ssettag $0x1  }
0x1: {  	s4 =	rddreg [dreg:$0x0]  }
0x2: {  	s5 =	rddreg [dreg:$0x1]  }
0x3: {  	s2 =	rddreg [dreg:$0x2]  }
0x4: {  	s0 =	rddreg [dreg:$0x3];
	s3 =	simm.s32 $0x0;
	s1 =	stileid.u32  }
0x5: {  	[smem:$0x7FF] =	sst s3;
	s6 =	sshll.u32 s1, $0x3  }
0x6: {  	s23 =	simm.s32 $0x3;
	_ =	strace $0x80000047;
	s5 =	sadd.s32 s5, s6  }
0x7: {  	[tilespmem:s3], [sflag:$0x3] =	stream.linear.gather [hbm4b:s5+s3], $0x40, $0x38;
	[tilespmem:$0x2080] =	vst v63  }
0x8: {  	_ =	swait.ge [sflag:s23], $0x40  }
0x9: {  	[sflag:s23] =	ssyncset.done $0x0  }
0xa: {  	s24 =	sshll.u32 s1, $0x6;
	[sflag:s23] =	ssyncadd.s32 $0xFFFFFFC0  }
0xb: {  	v0 =	vmov s24;
	s7 =	sor.u32 $0x10, s24;
	v1 =	vld [tilespmem:$0x0]  }
0xc: {  	s6 =	sor.u32 $0x30, s24;
	v0 =	vmul.u32 $0x3E8, v0;
	v2 =	vmov s7;
	v3 =	vld [tilespmem:$0x10]  }
0xd: {  	v6 =	vlaneseq.u32;
	s25 =	sor.u32 $0x20, s24;
	v7 =	vmov s6;
	v2 =	vmul.u32 $0x3E8, v2;
	v8 =	vld [tilespmem:$0x30]  }
0xe: {  	v4 =	vmov s25;
	v7 =	vmul.u32 $0x3E8, v7;
	v0 =	vbroadcast v0, $0x0;
	v5 =	vld [tilespmem:$0x20]  }
0xf: {  	v6 =	vmul.u32 $0x3E8, v6;
	v4 =	vmul.u32 $0x3E8, v4;
	v2 =	vbroadcast v2, $0x0  }
0x10: {  	v59 =	vbroadcast v7, $0x0;
	v0 =	vadd.s32 v1, v0  }
0x11: {  	v58 =	vbroadcast v4, $0x0;
	v2 =	vadd.s32 v3, v2;
	v0 =	vadd.s32 v6, v0  }
0x12: {  	v62 =	vadd.s32 v8, v59;
	v61 =	vadd.s32 v6, v2;
	[tilespmem:$0x0] =	vst v0  }
0x13: {  	v60 =	vadd.s32 v5, v58;
	v63 =	vadd.s32 v6, v62;
	[tilespmem:$0x10] =	vst v61  }
0x14: {  	v0 =	vadd.s32 v6, v60;
	[tilespmem:$0x30] =	vst v63  }
0x15: {  	s26 =	simm.s32 $0x20;
	s8 =	simm.s32 $0x80;
	[tilespmem:$0x20] =	vst v0  }
0x16: {  	[tilespmem:s8], [sflag:$0x1] =	stream.indirect.gather [hbm4b:s4+s26], $0x80, s3, s26, $0xb8;
	[tilespmem:$0x2080] =	vst v63  }
0x17: {  	s9 =	simm.s32 $0x1080;
	s28 =	simm.s32 $0x1  }
0x18: {  	[tilespmem:s9], [sflag:$0x2] =	stream.indirect.gather [hbm4b:s4+s26], $0x80, s26, s26, $0xb8;
	[tilespmem:$0x2080] =	vst v63  }
0x19: {  	_ =	swait.ge [sflag:s28], $0x1000  }
0x1a: {  	s29 =	sshll.u32 s1, $0xA;
	[sflag:s28] =	ssyncset.done $0x0  }
0x1b: {  	s6 =	sadd.s32 s2, s29;
	[sflag:s28] =	ssyncadd.s32 $0xFFFFF000  }
0x1c: {  	[hbm4b:s6+s3] =	stream.linear.scatter [tilespmem:s8], [sflag:$0x3], $0x1000, $0x38;
	[tilespmem:$0x2080] =	vst v63  }
0x1d: {  	_ =	swait.ge [sflag:s23], $0x1000  }
0x1e: {  	[sflag:s23] =	ssyncset.done $0x0  }
0x1f: {  	s30 =	simm.s32 $0x2;
	[sflag:s23] =	ssyncadd.s32 $0xFFFFF000  }
0x20: {  	_ =	swait.ge [sflag:s30], $0x1000  }
0x21: {  	s31 =	sshll.u32 s25, $0x4;
	[sflag:s30] =	ssyncset.done $0x0  }
0x22: {  	s2 =	sadd.s32 s2, s31;
	[sflag:s30] =	ssyncadd.s32 $0xFFFFF000  }
0x23: {  	[hbm4b:s2+s3] =	stream.linear.scatter [tilespmem:s9], [sflag:$0x3], $0x1000, $0x38;
	[tilespmem:$0x2080] =	vst v63  }
0x24: {  	_ =	swait.ge [sflag:s23], $0x1000  }
0x25: {  	[sflag:s23] =	ssyncset.done $0x0  }
0x26: {  	[sflag:s23] =	ssyncadd.s32 $0xFFFFF000  }
0x27: {  	_ =	sfence.sel $0x180000  }
0x28: {  	[bflag:$0x0] =	sbarrier.arrive $0xFFFF  }
0x29: {  	p0 =	sne.s32 s1, $0x0;
	_ =	strace $0x90000047  }
0x2a: {  	s0 =	sadd.s32 @!p0 $0x100000, s0;
	[bflag:$0x2] =	sbarrier.arrive $0xFFFF  }
0x2b: {  	[sflag:s0] =	ssyncadd.tile.s32 @!p0 $0x1;
	_ =	shalt  }
.Lfunc_end2:
_tile_overlayer_lowered:
.L_overlay_start_2:
0x2c: {  	(tag) =	ssettag $0x2  }
0x2d: {  	s0 =	rddreg [dreg:$0x0];
	s2 =	stileid.u32  }
0x2e: {  	s1 =	rddreg [dreg:$0x1];
	p0 =	sne.s32 s2, $0x0  }
0x2f: {  	s3 =	rddreg [dreg:$0x2];
	[bflag:$0x3] =	sbarrier.arrive $0xFFFF;
	s2 =	simm.s32 @!p0 $0x1C03  }
0x30: {  	[timem:s3], [sflag:s2] =	dma.local @!p0 [hbm:s0], s1  }
0x31: {  	s0 =	simm.s32 @!p0 $0x3  }
0x32: {  	_ =	swait.ge @!p0 [sflag:s0], s1  }
0x33: {  	s1 =	ssub.s32 @!p0 $0x0, s1;
	[sflag:s0] =	ssyncset.done @!p0 $0x0  }
0x34: {  	[sflag:s0] =	ssyncadd.s32 @!p0 s1  }
0x35: {  	[bflag:$0x3] =	sbarrier.arrive $0xFFFF  }
0x36: {  	_ =	shalt  }

</sc_bundles>
